<compile_context>
chip_gen: v7x
topology: tpu7x:2x2x1
jax: 0.10.2.dev20260603
libtpu: 0.0.44.dev20260713+nightly
codegen_flags: <defaults>
</compile_context>

<pallas_src>
import functools

import jax
import jax.numpy as jnp
from jax import lax
from jax.experimental import pallas as pl
from jax.experimental.pallas import tpu as pltpu
from jax.experimental.pallas import tpu_sc as plsc

B = 16384
N = 1000000
E = 64
T = 128
V = 128
H = 128
F = 2 * E + T + V

NC = 2
NS = 16
NW = NC * NS
BPW = B // NW
IDX_ROWS = BPW // 128

CB = 16384
NBLK = (N + CB - 1) // CB
N2 = NBLK * CB


def _rne_bf16_high(x_u32):
    return (x_u32 + 0x7FFF + ((x_u32 >> 16) & 1)) & jnp.uint32(0xFFFF0000)


def _xpose_body(u_ref, r_ref, out_ref):
    ub = lax.bitcast_convert_type(u_ref[...], jnp.uint32)
    rb = lax.bitcast_convert_type(r_ref[...], jnp.uint32)
    word = _rne_bf16_high(ub) | (_rne_bf16_high(rb) >> 16)
    wt = word.T
    rows = jnp.concatenate([wt[0:CB // 2], wt[CB // 2:CB]], axis=1)
    out_ref[...] = lax.bitcast_convert_type(rows, jnp.float32)


def _combine_tables(ut, rt):
    out = pl.pallas_call(
        _xpose_body,
        grid=(NBLK,),
        in_specs=[pl.BlockSpec((E, CB), lambda i: (0, i)),
                  pl.BlockSpec((E, CB), lambda i: (0, i))],
        out_specs=pl.BlockSpec((CB // 2, 2 * E), lambda i: (i, 0)),
        out_shape=jax.ShapeDtypeStruct((N2 // 2, 2 * E), jnp.float32),
    )(ut, rt)
    return out.reshape(N2, E)


def _permute_indices(t):
    blk = t & ~(CB - 1)
    k = t & (CB - 1)
    return blk | ((k << 1) & (CB - 1)) | (k >> (CB.bit_length() - 2))


def _sc_gather_body(uidx_hbm, ridx_hbm, tab_hbm, uout_hbm, rout_hbm,
                    uidx_v, ridx_v, urows_v, rrows_v, sem_u, sem_r):
    wid = lax.axis_index("s") * NC + lax.axis_index("c")
    base = wid * BPW
    row0 = wid * IDX_ROWS
    pltpu.sync_copy(uidx_hbm.at[pl.ds(row0, IDX_ROWS)], uidx_v)
    pltpu.sync_copy(ridx_hbm.at[pl.ds(row0, IDX_ROWS)], ridx_v)
    copies = []
    for j in range(IDX_ROWS):
        copies.append(pltpu.async_copy(
            tab_hbm.at[uidx_v.at[j]], urows_v.at[pl.ds(j * 128, 128)], sem_u))
        copies.append(pltpu.async_copy(
            tab_hbm.at[ridx_v.at[j]], rrows_v.at[pl.ds(j * 128, 128)], sem_r))
    for c in copies:
        c.wait()
    pltpu.sync_copy(urows_v, uout_hbm.at[pl.ds(base, BPW)])
    pltpu.sync_copy(rrows_v, rout_hbm.at[pl.ds(base, BPW)])


def _make_sc_gather():
    mesh = plsc.VectorSubcoreMesh(core_axis_name="c", subcore_axis_name="s")
    return functools.partial(
        pl.kernel, mesh=mesh,
        compiler_params=pltpu.CompilerParams(use_tc_tiling_on_sc=False),
        out_type=[jax.ShapeDtypeStruct((B, E), jnp.float32),
                  jax.ShapeDtypeStruct((B, E), jnp.float32)],
        scratch_types=[
            pltpu.VMEM((IDX_ROWS, 128), jnp.int32),
            pltpu.VMEM((IDX_ROWS, 128), jnp.int32),
            pltpu.VMEM((BPW, E), jnp.float32),
            pltpu.VMEM((BPW, E), jnp.float32),
            pltpu.SemaphoreType.DMA,
            pltpu.SemaphoreType.DMA,
        ])(_sc_gather_body)


_sc_gather_cached = None


def _sc_gather(*args):
    global _sc_gather_cached
    if _sc_gather_cached is None:
        _sc_gather_cached = _make_sc_gather()
    return _sc_gather_cached(*args)

BLK = 1024


def _mlp_body(u_ref, r_ref, t_ref, v_ref, w1_ref, b1_ref, w2_ref, b2_ref,
              w3_ref, b3_ref, out_ref):
    uw = lax.bitcast_convert_type(u_ref[...], jnp.uint32)
    rw = lax.bitcast_convert_type(r_ref[...], jnp.uint32)
    u = lax.bitcast_convert_type(uw & jnp.uint32(0xFFFF0000), jnp.float32)
    r = lax.bitcast_convert_type(rw << 16, jnp.float32)
    x = (u @ w1_ref[0:E, :]
         + r @ w1_ref[E:2 * E, :]
         + t_ref[...] @ w1_ref[2 * E:2 * E + T, :]
         + v_ref[...] @ w1_ref[2 * E + T:F, :])
    h = jnp.maximum(x + b1_ref[...], 0.0)
    h = jnp.maximum(h @ w2_ref[...] + b2_ref[...], 0.0)
    logit = jnp.sum(h * w3_ref[...], axis=1) + b3_ref[0, 0]
    out_ref[...] = (1.0 / (1.0 + jnp.exp(-logit))).reshape(1, 1, BLK)


def _mlp(u, r, t, v, W1, b1, W2, b2, W3, b3):
    n = B // BLK
    out = pl.pallas_call(
        _mlp_body,
        grid=(n,),
        in_specs=[
            pl.BlockSpec((BLK, E), lambda i: (i, 0)),
            pl.BlockSpec((BLK, E), lambda i: (i, 0)),
            pl.BlockSpec((BLK, T), lambda i: (i, 0)),
            pl.BlockSpec((BLK, V), lambda i: (i, 0)),
            pl.BlockSpec((F, H), lambda i: (0, 0)),
            pl.BlockSpec((1, H), lambda i: (0, 0)),
            pl.BlockSpec((H, H), lambda i: (0, 0)),
            pl.BlockSpec((1, H), lambda i: (0, 0)),
            pl.BlockSpec((1, H), lambda i: (0, 0)),
            pl.BlockSpec(memory_space=pltpu.SMEM),
        ],
        out_specs=pl.BlockSpec((1, 1, BLK), lambda i: (i, 0, 0)),
        out_shape=jax.ShapeDtypeStruct((n, 1, BLK), jnp.float32),
    )(u, r, t, v, W1, b1.reshape(1, H), W2, b2.reshape(1, H),
      W3.reshape(1, H), b3.reshape(1, 1))
    return out.reshape(B)


def kernel(user_indices, reel_indices, text_vectors, vision_vectors,
           user_table, reel_table, W1, b1, W2, b2, W3, b3):
    combo = _combine_tables(user_table.T, reel_table.T)
    uidx = _permute_indices(user_indices.astype(jnp.int32)).reshape(B // 128, 128)
    ridx = _permute_indices(reel_indices.astype(jnp.int32)).reshape(B // 128, 128)
    u, r = _sc_gather(uidx, ridx, combo)
    return _mlp(u, r, text_vectors, vision_vectors, W1, b1, W2, b2, W3, b3)

# --- scband reference (transcript-rebuilt; emitter-appended) ---
"""Pipeline reference for scband-reels-multimodal-model-18485539242125 (READ-ONLY COPY).

The authoritative reference and input builder live on the scoring server;
editing this copy changes nothing except your own understanding.
"""

import jax, jax.numpy as jnp
import numpy as np

B = 16384
NUM_USERS = 1000000
NUM_REELS = 1000000
E = 64
T = 128
V = 128
H = 128
F = 2 * E + T + V


def setup_inputs(seed: int = 0) -> dict:
    key = jax.random.key(seed)
    ks = jax.random.split(key, 12)
    user_indices = jax.random.randint(ks[0], (B,), 0, NUM_USERS, dtype=jnp.int64 if jax.config.jax_enable_x64 else jnp.int32)
    reel_indices = jax.random.randint(ks[1], (B,), 0, NUM_REELS, dtype=jnp.int64 if jax.config.jax_enable_x64 else jnp.int32)
    text_vectors = jax.random.normal(ks[2], (B, T), dtype=jnp.float32)
    vision_vectors = jax.random.normal(ks[3], (B, V), dtype=jnp.float32)
    user_table = jax.random.normal(ks[4], (NUM_USERS, E), dtype=jnp.float32) * 0.02
    reel_table = jax.random.normal(ks[5], (NUM_REELS, E), dtype=jnp.float32) * 0.02
    W1 = jax.random.normal(ks[6], (F, H), dtype=jnp.float32) / np.sqrt(F)
    b1 = jnp.zeros((H,), dtype=jnp.float32)
    W2 = jax.random.normal(ks[7], (H, H), dtype=jnp.float32) / np.sqrt(H)
    b2 = jnp.zeros((H,), dtype=jnp.float32)
    W3 = jax.random.normal(ks[8], (H, 1), dtype=jnp.float32) / np.sqrt(H)
    b3 = jnp.zeros((1,), dtype=jnp.float32)
    return {
        'user_indices': user_indices,
        'reel_indices': reel_indices,
        'text_vectors': text_vectors,
        'vision_vectors': vision_vectors,
        'user_table': user_table,
        'reel_table': reel_table,
        'W1': W1, 'b1': b1, 'W2': W2, 'b2': b2, 'W3': W3, 'b3': b3,
    }


def reference(user_indices, reel_indices, text_vectors, vision_vectors,
              user_table, reel_table, W1, b1, W2, b2, W3, b3):
    u = jnp.take(user_table, user_indices, axis=0)
    r = jnp.take(reel_table, reel_indices, axis=0)
    x = jnp.concatenate([u, r, text_vectors, vision_vectors], axis=-1)
    h = jax.nn.relu(x @ W1 + b1)
    h = jax.nn.relu(h @ W2 + b2)
    out = jax.nn.sigmoid(h @ W3 + b3)
    return out.squeeze(-1)

if __name__ == "__main__":
    import jax
    _d = setup_inputs()
    print(jax.jit(kernel)(*tuple(_d.values())))

</pallas_src>

<mosaic_0001>
#map = affine_map<(d0, d1) -> (0, 0)>
module attributes {stable_mosaic.version = 14 : i64} {
  func.func @_sc_gather_body(%arg0: i32, %arg1: i32, %arg2: memref<128x128xi32, #tpu.memory_space<hbm>>, %arg3: memref<128x128xi32, #tpu.memory_space<hbm>>, %arg4: memref<1015808x64xf32, #tpu.memory_space<hbm>>, %arg5: memref<16384x64xf32, #tpu.memory_space<hbm>>, %arg6: memref<16384x64xf32, #tpu.memory_space<hbm>>, %arg7: memref<4x128xi32, #tpu.memory_space<vmem>>, %arg8: memref<4x128xi32, #tpu.memory_space<vmem>>, %arg9: memref<512x64xf32, #tpu.memory_space<vmem>>, %arg10: memref<512x64xf32, #tpu.memory_space<vmem>>, %arg11: memref<!tpu.dma_semaphore, #tpu.memory_space<semaphore_mem>>, %arg12: memref<!tpu.dma_semaphore, #tpu.memory_space<semaphore_mem>>) attributes {dimension_semantics = [#tpu.dimension_semantics<core_parallel>, #tpu.dimension_semantics<subcore_parallel>], iteration_bounds = array<i64: 2, 16>, scalar_prefetch = 0 : i64, scratch_operands = 6 : i64, tpu.core_type = #tpu.core_type<sc_vector_subcore>, window_params = [{transform_indices = #map}, {transform_indices = #map}, {transform_indices = #map}, {transform_indices = #map}, {transform_indices = #map}]} {
    %mul3A = arith.constant 2 : i32
    %mul3A_0 = arith.muli %arg1, %mul3A : i32
    %add3A = arith.addi %mul3A_0, %arg0 : i32
    %mul3A_1 = arith.constant 512 : i32
    %mul3A_2 = arith.muli %add3A, %mul3A_1 : i32
    %mul3A_3 = arith.constant 4 : i32
    %mul3A_4 = arith.muli %add3A, %mul3A_3 : i32
    "tpu.region"() ({
      %run_scoped3A = tpu.sem_alloc : memref<!tpu.dma_semaphore, #tpu.memory_space<semaphore_mem>>
      %dma_start3A_163 = arith.constant 0 : i32
      %dma_start3A_164 = tpu.memref_slice %arg2[%mul3A_4, %dma_start3A_163] : memref<128x128xi32, #tpu.memory_space<hbm>> -> memref<4x128xi32, #tpu.memory_space<hbm>>
      %dma_start3A_165 = arith.constant 0 : i32
      %dma_start3A_166 = tpu.memref_slice %arg2[%mul3A_4, %dma_start3A_165] : memref<128x128xi32, #tpu.memory_space<hbm>> -> memref<4x128xi32, #tpu.memory_space<hbm>>
      tpu.enqueue_dma source(%dma_start3A_166 : memref<4x128xi32, #tpu.memory_space<hbm>>) target(%arg7 : memref<4x128xi32, #tpu.memory_space<vmem>>) target_semaphore(%run_scoped3A : memref<!tpu.dma_semaphore, #tpu.memory_space<semaphore_mem>>)
      %dma_wait3A_167 = arith.constant 0 : i32
      %dma_wait3A_168 = tpu.memref_slice %arg2[%mul3A_4, %dma_wait3A_167] : memref<128x128xi32, #tpu.memory_space<hbm>> -> memref<4x128xi32, #tpu.memory_space<hbm>>
      %dma_wait3A_169 = arith.constant 0 : i32
      %dma_wait3A_170 = tpu.memref_slice %arg2[%mul3A_4, %dma_wait3A_169] : memref<128x128xi32, #tpu.memory_space<hbm>> -> memref<4x128xi32, #tpu.memory_space<hbm>>
      tpu.wait_dma2 semaphore(%run_scoped3A : memref<!tpu.dma_semaphore, #tpu.memory_space<semaphore_mem>>) src(%dma_wait3A_170 : memref<4x128xi32, #tpu.memory_space<hbm>>) dst(%arg7 : memref<4x128xi32, #tpu.memory_space<vmem>>)
      tpu.yield
    }) : () -> ()
    "tpu.region"() ({
      %run_scoped3A = tpu.sem_alloc : memref<!tpu.dma_semaphore, #tpu.memory_space<semaphore_mem>>
      %dma_start3A_163 = arith.constant 0 : i32
      %dma_start3A_164 = tpu.memref_slice %arg3[%mul3A_4, %dma_start3A_163] : memref<128x128xi32, #tpu.memory_space<hbm>> -> memref<4x128xi32, #tpu.memory_space<hbm>>
      %dma_start3A_165 = arith.constant 0 : i32
      %dma_start3A_166 = tpu.memref_slice %arg3[%mul3A_4, %dma_start3A_165] : memref<128x128xi32, #tpu.memory_space<hbm>> -> memref<4x128xi32, #tpu.memory_space<hbm>>
      tpu.enqueue_dma source(%dma_start3A_166 : memref<4x128xi32, #tpu.memory_space<hbm>>) target(%arg8 : memref<4x128xi32, #tpu.memory_space<vmem>>) target_semaphore(%run_scoped3A : memref<!tpu.dma_semaphore, #tpu.memory_space<semaphore_mem>>)
      %dma_wait3A_167 = arith.constant 0 : i32
      %dma_wait3A_168 = tpu.memref_slice %arg3[%mul3A_4, %dma_wait3A_167] : memref<128x128xi32, #tpu.memory_space<hbm>> -> memref<4x128xi32, #tpu.memory_space<hbm>>
      %dma_wait3A_169 = arith.constant 0 : i32
      %dma_wait3A_170 = tpu.memref_slice %arg3[%mul3A_4, %dma_wait3A_169] : memref<128x128xi32, #tpu.memory_space<hbm>> -> memref<4x128xi32, #tpu.memory_space<hbm>>
      tpu.wait_dma2 semaphore(%run_scoped3A : memref<!tpu.dma_semaphore, #tpu.memory_space<semaphore_mem>>) src(%dma_wait3A_170 : memref<4x128xi32, #tpu.memory_space<hbm>>) dst(%arg8 : memref<4x128xi32, #tpu.memory_space<vmem>>)
      tpu.yield
    }) : () -> ()
    %dma_start3A = arith.constant 0 : i32
    %dma_start3A_5 = arith.constant 0 : i32
    %dma_start3A_6 = arith.constant 0 : i32
    %dma_start3A_7 = tpu.memref_slice %arg9[%dma_start3A_5, %dma_start3A_6] : memref<512x64xf32, #tpu.memory_space<vmem>> -> memref<128x64xf32, #tpu.memory_space<vmem>>
    %dma_start3A_8 = arith.constant 0 : i32
    %dma_start3A_9 = tpu.memref_slice %arg7[%dma_start3A, %dma_start3A_8] : memref<4x128xi32, #tpu.memory_space<vmem>> -> memref<1x128xi32, #tpu.memory_space<vmem>>
    %dma_start3A_10 = tpu.memref_squeeze %dma_start3A_9 : memref<1x128xi32, #tpu.memory_space<vmem>> -> memref<128xi32, #tpu.memory_space<vmem>>
    %dma_start3A_11 = arith.constant 0 : i32
    %dma_start3A_12 = arith.constant 0 : i32
    %dma_start3A_13 = tpu.memref_slice %arg4[%dma_start3A_11, %dma_start3A_12] : memref<1015808x64xf32, #tpu.memory_space<hbm>> -> memref<1015808x64xf32, #tpu.memory_space<hbm>>
    tpu.enqueue_indirect_dma source(%dma_start3A_13 : memref<1015808x64xf32, #tpu.memory_space<hbm>>) target(%dma_start3A_7 : memref<128x64xf32, #tpu.memory_space<vmem>>) offsets(%dma_start3A_10 : memref<128xi32, #tpu.memory_space<vmem>>) semaphore(%arg11 : memref<!tpu.dma_semaphore, #tpu.memory_space<semaphore_mem>>)
    %dma_start3A_14 = arith.constant 0 : i32
    %dma_start3A_15 = arith.constant 0 : i32
    %dma_start3A_16 = arith.constant 0 : i32
    %dma_start3A_17 = tpu.memref_slice %arg10[%dma_start3A_15, %dma_start3A_16] : memref<512x64xf32, #tpu.memory_space<vmem>> -> memref<128x64xf32, #tpu.memory_space<vmem>>
    %dma_start3A_18 = arith.constant 0 : i32
    %dma_start3A_19 = tpu.memref_slice %arg8[%dma_start3A_14, %dma_start3A_18] : memref<4x128xi32, #tpu.memory_space<vmem>> -> memref<1x128xi32, #tpu.memory_space<vmem>>
    %dma_start3A_20 = tpu.memref_squeeze %dma_start3A_19 : memref<1x128xi32, #tpu.memory_space<vmem>> -> memref<128xi32, #tpu.memory_space<vmem>>
    %dma_start3A_21 = arith.constant 0 : i32
    %dma_start3A_22 = arith.constant 0 : i32
    %dma_start3A_23 = tpu.memref_slice %arg4[%dma_start3A_21, %dma_start3A_22] : memref<1015808x64xf32, #tpu.memory_space<hbm>> -> memref<1015808x64xf32, #tpu.memory_space<hbm>>
    tpu.enqueue_indirect_dma source(%dma_start3A_23 : memref<1015808x64xf32, #tpu.memory_space<hbm>>) target(%dma_start3A_17 : memref<128x64xf32, #tpu.memory_space<vmem>>) offsets(%dma_start3A_20 : memref<128xi32, #tpu.memory_space<vmem>>) semaphore(%arg12 : memref<!tpu.dma_semaphore, #tpu.memory_space<semaphore_mem>>)
    %dma_start3A_24 = arith.constant 1 : i32
    %dma_start3A_25 = arith.constant 128 : i32
    %dma_start3A_26 = arith.constant 0 : i32
    %dma_start3A_27 = tpu.memref_slice %arg9[%dma_start3A_25, %dma_start3A_26] : memref<512x64xf32, #tpu.memory_space<vmem>> -> memref<128x64xf32, #tpu.memory_space<vmem>>
    %dma_start3A_28 = arith.constant 0 : i32
    %dma_start3A_29 = tpu.memref_slice %arg7[%dma_start3A_24, %dma_start3A_28] : memref<4x128xi32, #tpu.memory_space<vmem>> -> memref<1x128xi32, #tpu.memory_space<vmem>>
    %dma_start3A_30 = tpu.memref_squeeze %dma_start3A_29 : memref<1x128xi32, #tpu.memory_space<vmem>> -> memref<128xi32, #tpu.memory_space<vmem>>
    %dma_start3A_31 = arith.constant 0 : i32
    %dma_start3A_32 = arith.constant 0 : i32
    %dma_start3A_33 = tpu.memref_slice %arg4[%dma_start3A_31, %dma_start3A_32] : memref<1015808x64xf32, #tpu.memory_space<hbm>> -> memref<1015808x64xf32, #tpu.memory_space<hbm>>
    tpu.enqueue_indirect_dma source(%dma_start3A_33 : memref<1015808x64xf32, #tpu.memory_space<hbm>>) target(%dma_start3A_27 : memref<128x64xf32, #tpu.memory_space<vmem>>) offsets(%dma_start3A_30 : memref<128xi32, #tpu.memory_space<vmem>>) semaphore(%arg11 : memref<!tpu.dma_semaphore, #tpu.memory_space<semaphore_mem>>)
    %dma_start3A_34 = arith.constant 1 : i32
    %dma_start3A_35 = arith.constant 128 : i32
    %dma_start3A_36 = arith.constant 0 : i32
    %dma_start3A_37 = tpu.memref_slice %arg10[%dma_start3A_35, %dma_start3A_36] : memref<512x64xf32, #tpu.memory_space<vmem>> -> memref<128x64xf32, #tpu.memory_space<vmem>>
    %dma_start3A_38 = arith.constant 0 : i32
    %dma_start3A_39 = tpu.memref_slice %arg8[%dma_start3A_34, %dma_start3A_38] : memref<4x128xi32, #tpu.memory_space<vmem>> -> memref<1x128xi32, #tpu.memory_space<vmem>>
    %dma_start3A_40 = tpu.memref_squeeze %dma_start3A_39 : memref<1x128xi32, #tpu.memory_space<vmem>> -> memref<128xi32, #tpu.memory_space<vmem>>
    %dma_start3A_41 = arith.constant 0 : i32
    %dma_start3A_42 = arith.constant 0 : i32
    %dma_start3A_43 = tpu.memref_slice %arg4[%dma_start3A_41, %dma_start3A_42] : memref<1015808x64xf32, #tpu.memory_space<hbm>> -> memref<1015808x64xf32, #tpu.memory_space<hbm>>
    tpu.enqueue_indirect_dma source(%dma_start3A_43 : memref<1015808x64xf32, #tpu.memory_space<hbm>>) target(%dma_start3A_37 : memref<128x64xf32, #tpu.memory_space<vmem>>) offsets(%dma_start3A_40 : memref<128xi32, #tpu.memory_space<vmem>>) semaphore(%arg12 : memref<!tpu.dma_semaphore, #tpu.memory_space<semaphore_mem>>)
    %dma_start3A_44 = arith.constant 2 : i32
    %dma_start3A_45 = arith.constant 256 : i32
    %dma_start3A_46 = arith.constant 0 : i32
    %dma_start3A_47 = tpu.memref_slice %arg9[%dma_start3A_45, %dma_start3A_46] : memref<512x64xf32, #tpu.memory_space<vmem>> -> memref<128x64xf32, #tpu.memory_space<vmem>>
    %dma_start3A_48 = arith.constant 0 : i32
    %dma_start3A_49 = tpu.memref_slice %arg7[%dma_start3A_44, %dma_start3A_48] : memref<4x128xi32, #tpu.memory_space<vmem>> -> memref<1x128xi32, #tpu.memory_space<vmem>>
    %dma_start3A_50 = tpu.memref_squeeze %dma_start3A_49 : memref<1x128xi32, #tpu.memory_space<vmem>> -> memref<128xi32, #tpu.memory_space<vmem>>
    %dma_start3A_51 = arith.constant 0 : i32
    %dma_start3A_52 = arith.constant 0 : i32
    %dma_start3A_53 = tpu.memref_slice %arg4[%dma_start3A_51, %dma_start3A_52] : memref<1015808x64xf32, #tpu.memory_space<hbm>> -> memref<1015808x64xf32, #tpu.memory_space<hbm>>
    tpu.enqueue_indirect_dma source(%dma_start3A_53 : memref<1015808x64xf32, #tpu.memory_space<hbm>>) target(%dma_start3A_47 : memref<128x64xf32, #tpu.memory_space<vmem>>) offsets(%dma_start3A_50 : memref<128xi32, #tpu.memory_space<vmem>>) semaphore(%arg11 : memref<!tpu.dma_semaphore, #tpu.memory_space<semaphore_mem>>)
    %dma_start3A_54 = arith.constant 2 : i32
    %dma_start3A_55 = arith.constant 256 : i32
    %dma_start3A_56 = arith.constant 0 : i32
    %dma_start3A_57 = tpu.memref_slice %arg10[%dma_start3A_55, %dma_start3A_56] : memref<512x64xf32, #tpu.memory_space<vmem>> -> memref<128x64xf32, #tpu.memory_space<vmem>>
    %dma_start3A_58 = arith.constant 0 : i32
    %dma_start3A_59 = tpu.memref_slice %arg8[%dma_start3A_54, %dma_start3A_58] : memref<4x128xi32, #tpu.memory_space<vmem>> -> memref<1x128xi32, #tpu.memory_space<vmem>>
    %dma_start3A_60 = tpu.memref_squeeze %dma_start3A_59 : memref<1x128xi32, #tpu.memory_space<vmem>> -> memref<128xi32, #tpu.memory_space<vmem>>
    %dma_start3A_61 = arith.constant 0 : i32
    %dma_start3A_62 = arith.constant 0 : i32
    %dma_start3A_63 = tpu.memref_slice %arg4[%dma_start3A_61, %dma_start3A_62] : memref<1015808x64xf32, #tpu.memory_space<hbm>> -> memref<1015808x64xf32, #tpu.memory_space<hbm>>
    tpu.enqueue_indirect_dma source(%dma_start3A_63 : memref<1015808x64xf32, #tpu.memory_space<hbm>>) target(%dma_start3A_57 : memref<128x64xf32, #tpu.memory_space<vmem>>) offsets(%dma_start3A_60 : memref<128xi32, #tpu.memory_space<vmem>>) semaphore(%arg12 : memref<!tpu.dma_semaphore, #tpu.memory_space<semaphore_mem>>)
    %dma_start3A_64 = arith.constant 3 : i32
    %dma_start3A_65 = arith.constant 384 : i32
    %dma_start3A_66 = arith.constant 0 : i32
    %dma_start3A_67 = tpu.memref_slice %arg9[%dma_start3A_65, %dma_start3A_66] : memref<512x64xf32, #tpu.memory_space<vmem>> -> memref<128x64xf32, #tpu.memory_space<vmem>>
    %dma_start3A_68 = arith.constant 0 : i32
    %dma_start3A_69 = tpu.memref_slice %arg7[%dma_start3A_64, %dma_start3A_68] : memref<4x128xi32, #tpu.memory_space<vmem>> -> memref<1x128xi32, #tpu.memory_space<vmem>>
    %dma_start3A_70 = tpu.memref_squeeze %dma_start3A_69 : memref<1x128xi32, #tpu.memory_space<vmem>> -> memref<128xi32, #tpu.memory_space<vmem>>
    %dma_start3A_71 = arith.constant 0 : i32
    %dma_start3A_72 = arith.constant 0 : i32
    %dma_start3A_73 = tpu.memref_slice %arg4[%dma_start3A_71, %dma_start3A_72] : memref<1015808x64xf32, #tpu.memory_space<hbm>> -> memref<1015808x64xf32, #tpu.memory_space<hbm>>
    tpu.enqueue_indirect_dma source(%dma_start3A_73 : memref<1015808x64xf32, #tpu.memory_space<hbm>>) target(%dma_start3A_67 : memref<128x64xf32, #tpu.memory_space<vmem>>) offsets(%dma_start3A_70 : memref<128xi32, #tpu.memory_space<vmem>>) semaphore(%arg11 : memref<!tpu.dma_semaphore, #tpu.memory_space<semaphore_mem>>)
    %dma_start3A_74 = arith.constant 3 : i32
    %dma_start3A_75 = arith.constant 384 : i32
    %dma_start3A_76 = arith.constant 0 : i32
    %dma_start3A_77 = tpu.memref_slice %arg10[%dma_start3A_75, %dma_start3A_76] : memref<512x64xf32, #tpu.memory_space<vmem>> -> memref<128x64xf32, #tpu.memory_space<vmem>>
    %dma_start3A_78 = arith.constant 0 : i32
    %dma_start3A_79 = tpu.memref_slice %arg8[%dma_start3A_74, %dma_start3A_78] : memref<4x128xi32, #tpu.memory_space<vmem>> -> memref<1x128xi32, #tpu.memory_space<vmem>>
    %dma_start3A_80 = tpu.memref_squeeze %dma_start3A_79 : memref<1x128xi32, #tpu.memory_space<vmem>> -> memref<128xi32, #tpu.memory_space<vmem>>
    %dma_start3A_81 = arith.constant 0 : i32
    %dma_start3A_82 = arith.constant 0 : i32
    %dma_start3A_83 = tpu.memref_slice %arg4[%dma_start3A_81, %dma_start3A_82] : memref<1015808x64xf32, #tpu.memory_space<hbm>> -> memref<1015808x64xf32, #tpu.memory_space<hbm>>
    tpu.enqueue_indirect_dma source(%dma_start3A_83 : memref<1015808x64xf32, #tpu.memory_space<hbm>>) target(%dma_start3A_77 : memref<128x64xf32, #tpu.memory_space<vmem>>) offsets(%dma_start3A_80 : memref<128xi32, #tpu.memory_space<vmem>>) semaphore(%arg12 : memref<!tpu.dma_semaphore, #tpu.memory_space<semaphore_mem>>)
    %dma_wait3A = arith.constant 0 : i32
    %dma_wait3A_84 = arith.constant 0 : i32
    %dma_wait3A_85 = arith.constant 0 : i32
    %dma_wait3A_86 = tpu.memref_slice %arg9[%dma_wait3A_84, %dma_wait3A_85] : memref<512x64xf32, #tpu.memory_space<vmem>> -> memref<128x64xf32, #tpu.memory_space<vmem>>
    %dma_wait3A_87 = arith.constant 0 : i32
    %dma_wait3A_88 = tpu.memref_slice %arg7[%dma_wait3A, %dma_wait3A_87] : memref<4x128xi32, #tpu.memory_space<vmem>> -> memref<1x128xi32, #tpu.memory_space<vmem>>
    %dma_wait3A_89 = tpu.memref_squeeze %dma_wait3A_88 : memref<1x128xi32, #tpu.memory_space<vmem>> -> memref<128xi32, #tpu.memory_space<vmem>>
    %dma_wait3A_90 = arith.constant 0 : i32
    %dma_wait3A_91 = arith.constant 0 : i32
    %dma_wait3A_92 = tpu.memref_slice %arg4[%dma_wait3A_90, %dma_wait3A_91] : memref<1015808x64xf32, #tpu.memory_space<hbm>> -> memref<1015808x64xf32, #tpu.memory_space<hbm>>
    tpu.wait_indirect_dma semaphore(%arg11 : memref<!tpu.dma_semaphore, #tpu.memory_space<semaphore_mem>>) src(%dma_wait3A_92 : memref<1015808x64xf32, #tpu.memory_space<hbm>>) dst(%dma_wait3A_86 : memref<128x64xf32, #tpu.memory_space<vmem>>)
    %dma_wait3A_93 = arith.constant 0 : i32
    %dma_wait3A_94 = arith.constant 0 : i32
    %dma_wait3A_95 = arith.constant 0 : i32
    %dma_wait3A_96 = tpu.memref_slice %arg10[%dma_wait3A_94, %dma_wait3A_95] : memref<512x64xf32, #tpu.memory_space<vmem>> -> memref<128x64xf32, #tpu.memory_space<vmem>>
    %dma_wait3A_97 = arith.constant 0 : i32
    %dma_wait3A_98 = tpu.memref_slice %arg8[%dma_wait3A_93, %dma_wait3A_97] : memref<4x128xi32, #tpu.memory_space<vmem>> -> memref<1x128xi32, #tpu.memory_space<vmem>>
    %dma_wait3A_99 = tpu.memref_squeeze %dma_wait3A_98 : memref<1x128xi32, #tpu.memory_space<vmem>> -> memref<128xi32, #tpu.memory_space<vmem>>
    %dma_wait3A_100 = arith.constant 0 : i32
    %dma_wait3A_101 = arith.constant 0 : i32
    %dma_wait3A_102 = tpu.memref_slice %arg4[%dma_wait3A_100, %dma_wait3A_101] : memref<1015808x64xf32, #tpu.memory_space<hbm>> -> memref<1015808x64xf32, #tpu.memory_space<hbm>>
    tpu.wait_indirect_dma semaphore(%arg12 : memref<!tpu.dma_semaphore, #tpu.memory_space<semaphore_mem>>) src(%dma_wait3A_102 : memref<1015808x64xf32, #tpu.memory_space<hbm>>) dst(%dma_wait3A_96 : memref<128x64xf32, #tpu.memory_space<vmem>>)
    %dma_wait3A_103 = arith.constant 1 : i32
    %dma_wait3A_104 = arith.constant 128 : i32
    %dma_wait3A_105 = arith.constant 0 : i32
    %dma_wait3A_106 = tpu.memref_slice %arg9[%dma_wait3A_104, %dma_wait3A_105] : memref<512x64xf32, #tpu.memory_space<vmem>> -> memref<128x64xf32, #tpu.memory_space<vmem>>
    %dma_wait3A_107 = arith.constant 0 : i32
    %dma_wait3A_108 = tpu.memref_slice %arg7[%dma_wait3A_103, %dma_wait3A_107] : memref<4x128xi32, #tpu.memory_space<vmem>> -> memref<1x128xi32, #tpu.memory_space<vmem>>
    %dma_wait3A_109 = tpu.memref_squeeze %dma_wait3A_108 : memref<1x128xi32, #tpu.memory_space<vmem>> -> memref<128xi32, #tpu.memory_space<vmem>>
    %dma_wait3A_110 = arith.constant 0 : i32
    %dma_wait3A_111 = arith.constant 0 : i32
    %dma_wait3A_112 = tpu.memref_slice %arg4[%dma_wait3A_110, %dma_wait3A_111] : memref<1015808x64xf32, #tpu.memory_space<hbm>> -> memref<1015808x64xf32, #tpu.memory_space<hbm>>
    tpu.wait_indirect_dma semaphore(%arg11 : memref<!tpu.dma_semaphore, #tpu.memory_space<semaphore_mem>>) src(%dma_wait3A_112 : memref<1015808x64xf32, #tpu.memory_space<hbm>>) dst(%dma_wait3A_106 : memref<128x64xf32, #tpu.memory_space<vmem>>)
    %dma_wait3A_113 = arith.constant 1 : i32
    %dma_wait3A_114 = arith.constant 128 : i32
    %dma_wait3A_115 = arith.constant 0 : i32
    %dma_wait3A_116 = tpu.memref_slice %arg10[%dma_wait3A_114, %dma_wait3A_115] : memref<512x64xf32, #tpu.memory_space<vmem>> -> memref<128x64xf32, #tpu.memory_space<vmem>>
    %dma_wait3A_117 = arith.constant 0 : i32
    %dma_wait3A_118 = tpu.memref_slice %arg8[%dma_wait3A_113, %dma_wait3A_117] : memref<4x128xi32, #tpu.memory_space<vmem>> -> memref<1x128xi32, #tpu.memory_space<vmem>>
    %dma_wait3A_119 = tpu.memref_squeeze %dma_wait3A_118 : memref<1x128xi32, #tpu.memory_space<vmem>> -> memref<128xi32, #tpu.memory_space<vmem>>
    %dma_wait3A_120 = arith.constant 0 : i32
    %dma_wait3A_121 = arith.constant 0 : i32
    %dma_wait3A_122 = tpu.memref_slice %arg4[%dma_wait3A_120, %dma_wait3A_121] : memref<1015808x64xf32, #tpu.memory_space<hbm>> -> memref<1015808x64xf32, #tpu.memory_space<hbm>>
    tpu.wait_indirect_dma semaphore(%arg12 : memref<!tpu.dma_semaphore, #tpu.memory_space<semaphore_mem>>) src(%dma_wait3A_122 : memref<1015808x64xf32, #tpu.memory_space<hbm>>) dst(%dma_wait3A_116 : memref<128x64xf32, #tpu.memory_space<vmem>>)
    %dma_wait3A_123 = arith.constant 2 : i32
    %dma_wait3A_124 = arith.constant 256 : i32
    %dma_wait3A_125 = arith.constant 0 : i32
    %dma_wait3A_126 = tpu.memref_slice %arg9[%dma_wait3A_124, %dma_wait3A_125] : memref<512x64xf32, #tpu.memory_space<vmem>> -> memref<128x64xf32, #tpu.memory_space<vmem>>
    %dma_wait3A_127 = arith.constant 0 : i32
    %dma_wait3A_128 = tpu.memref_slice %arg7[%dma_wait3A_123, %dma_wait3A_127] : memref<4x128xi32, #tpu.memory_space<vmem>> -> memref<1x128xi32, #tpu.memory_space<vmem>>
    %dma_wait3A_129 = tpu.memref_squeeze %dma_wait3A_128 : memref<1x128xi32, #tpu.memory_space<vmem>> -> memref<128xi32, #tpu.memory_space<vmem>>
    %dma_wait3A_130 = arith.constant 0 : i32
    %dma_wait3A_131 = arith.constant 0 : i32
    %dma_wait3A_132 = tpu.memref_slice %arg4[%dma_wait3A_130, %dma_wait3A_131] : memref<1015808x64xf32, #tpu.memory_space<hbm>> -> memref<1015808x64xf32, #tpu.memory_space<hbm>>
    tpu.wait_indirect_dma semaphore(%arg11 : memref<!tpu.dma_semaphore, #tpu.memory_space<semaphore_mem>>) src(%dma_wait3A_132 : memref<1015808x64xf32, #tpu.memory_space<hbm>>) dst(%dma_wait3A_126 : memref<128x64xf32, #tpu.memory_space<vmem>>)
    %dma_wait3A_133 = arith.constant 2 : i32
    %dma_wait3A_134 = arith.constant 256 : i32
    %dma_wait3A_135 = arith.constant 0 : i32
    %dma_wait3A_136 = tpu.memref_slice %arg10[%dma_wait3A_134, %dma_wait3A_135] : memref<512x64xf32, #tpu.memory_space<vmem>> -> memref<128x64xf32, #tpu.memory_space<vmem>>
    %dma_wait3A_137 = arith.constant 0 : i32
    %dma_wait3A_138 = tpu.memref_slice %arg8[%dma_wait3A_133, %dma_wait3A_137] : memref<4x128xi32, #tpu.memory_space<vmem>> -> memref<1x128xi32, #tpu.memory_space<vmem>>
    %dma_wait3A_139 = tpu.memref_squeeze %dma_wait3A_138 : memref<1x128xi32, #tpu.memory_space<vmem>> -> memref<128xi32, #tpu.memory_space<vmem>>
    %dma_wait3A_140 = arith.constant 0 : i32
    %dma_wait3A_141 = arith.constant 0 : i32
    %dma_wait3A_142 = tpu.memref_slice %arg4[%dma_wait3A_140, %dma_wait3A_141] : memref<1015808x64xf32, #tpu.memory_space<hbm>> -> memref<1015808x64xf32, #tpu.memory_space<hbm>>
    tpu.wait_indirect_dma semaphore(%arg12 : memref<!tpu.dma_semaphore, #tpu.memory_space<semaphore_mem>>) src(%dma_wait3A_142 : memref<1015808x64xf32, #tpu.memory_space<hbm>>) dst(%dma_wait3A_136 : memref<128x64xf32, #tpu.memory_space<vmem>>)
    %dma_wait3A_143 = arith.constant 3 : i32
    %dma_wait3A_144 = arith.constant 384 : i32
    %dma_wait3A_145 = arith.constant 0 : i32
    %dma_wait3A_146 = tpu.memref_slice %arg9[%dma_wait3A_144, %dma_wait3A_145] : memref<512x64xf32, #tpu.memory_space<vmem>> -> memref<128x64xf32, #tpu.memory_space<vmem>>
    %dma_wait3A_147 = arith.constant 0 : i32
    %dma_wait3A_148 = tpu.memref_slice %arg7[%dma_wait3A_143, %dma_wait3A_147] : memref<4x128xi32, #tpu.memory_space<vmem>> -> memref<1x128xi32, #tpu.memory_space<vmem>>
    %dma_wait3A_149 = tpu.memref_squeeze %dma_wait3A_148 : memref<1x128xi32, #tpu.memory_space<vmem>> -> memref<128xi32, #tpu.memory_space<vmem>>
    %dma_wait3A_150 = arith.constant 0 : i32
    %dma_wait3A_151 = arith.constant 0 : i32
    %dma_wait3A_152 = tpu.memref_slice %arg4[%dma_wait3A_150, %dma_wait3A_151] : memref<1015808x64xf32, #tpu.memory_space<hbm>> -> memref<1015808x64xf32, #tpu.memory_space<hbm>>
    tpu.wait_indirect_dma semaphore(%arg11 : memref<!tpu.dma_semaphore, #tpu.memory_space<semaphore_mem>>) src(%dma_wait3A_152 : memref<1015808x64xf32, #tpu.memory_space<hbm>>) dst(%dma_wait3A_146 : memref<128x64xf32, #tpu.memory_space<vmem>>)
    %dma_wait3A_153 = arith.constant 3 : i32
    %dma_wait3A_154 = arith.constant 384 : i32
    %dma_wait3A_155 = arith.constant 0 : i32
    %dma_wait3A_156 = tpu.memref_slice %arg10[%dma_wait3A_154, %dma_wait3A_155] : memref<512x64xf32, #tpu.memory_space<vmem>> -> memref<128x64xf32, #tpu.memory_space<vmem>>
    %dma_wait3A_157 = arith.constant 0 : i32
    %dma_wait3A_158 = tpu.memref_slice %arg8[%dma_wait3A_153, %dma_wait3A_157] : memref<4x128xi32, #tpu.memory_space<vmem>> -> memref<1x128xi32, #tpu.memory_space<vmem>>
    %dma_wait3A_159 = tpu.memref_squeeze %dma_wait3A_158 : memref<1x128xi32, #tpu.memory_space<vmem>> -> memref<128xi32, #tpu.memory_space<vmem>>
    %dma_wait3A_160 = arith.constant 0 : i32
    %dma_wait3A_161 = arith.constant 0 : i32
    %dma_wait3A_162 = tpu.memref_slice %arg4[%dma_wait3A_160, %dma_wait3A_161] : memref<1015808x64xf32, #tpu.memory_space<hbm>> -> memref<1015808x64xf32, #tpu.memory_space<hbm>>
    tpu.wait_indirect_dma semaphore(%arg12 : memref<!tpu.dma_semaphore, #tpu.memory_space<semaphore_mem>>) src(%dma_wait3A_162 : memref<1015808x64xf32, #tpu.memory_space<hbm>>) dst(%dma_wait3A_156 : memref<128x64xf32, #tpu.memory_space<vmem>>)
    "tpu.region"() ({
      %run_scoped3A = tpu.sem_alloc : memref<!tpu.dma_semaphore, #tpu.memory_space<semaphore_mem>>
      %dma_start3A_163 = arith.constant 0 : i32
      %dma_start3A_164 = tpu.memref_slice %arg5[%mul3A_2, %dma_start3A_163] : memref<16384x64xf32, #tpu.memory_space<hbm>> -> memref<512x64xf32, #tpu.memory_space<hbm>>
      %dma_start3A_165 = arith.constant 0 : i32
      %dma_start3A_166 = tpu.memref_slice %arg5[%mul3A_2, %dma_start3A_165] : memref<16384x64xf32, #tpu.memory_space<hbm>> -> memref<512x64xf32, #tpu.memory_space<hbm>>
      tpu.enqueue_dma source(%arg9 : memref<512x64xf32, #tpu.memory_space<vmem>>) target(%dma_start3A_166 : memref<512x64xf32, #tpu.memory_space<hbm>>) target_semaphore(%run_scoped3A : memref<!tpu.dma_semaphore, #tpu.memory_space<semaphore_mem>>)
      %dma_wait3A_167 = arith.constant 0 : i32
      %dma_wait3A_168 = tpu.memref_slice %arg5[%mul3A_2, %dma_wait3A_167] : memref<16384x64xf32, #tpu.memory_space<hbm>> -> memref<512x64xf32, #tpu.memory_space<hbm>>
      %dma_wait3A_169 = arith.constant 0 : i32
      %dma_wait3A_170 = tpu.memref_slice %arg5[%mul3A_2, %dma_wait3A_169] : memref<16384x64xf32, #tpu.memory_space<hbm>> -> memref<512x64xf32, #tpu.memory_space<hbm>>
      tpu.wait_dma2 semaphore(%run_scoped3A : memref<!tpu.dma_semaphore, #tpu.memory_space<semaphore_mem>>) src(%arg9 : memref<512x64xf32, #tpu.memory_space<vmem>>) dst(%dma_wait3A_170 : memref<512x64xf32, #tpu.memory_space<hbm>>)
      tpu.yield
    }) : () -> ()
    "tpu.region"() ({
      %run_scoped3A = tpu.sem_alloc : memref<!tpu.dma_semaphore, #tpu.memory_space<semaphore_mem>>
      %dma_start3A_163 = arith.constant 0 : i32
      %dma_start3A_164 = tpu.memref_slice %arg6[%mul3A_2, %dma_start3A_163] : memref<16384x64xf32, #tpu.memory_space<hbm>> -> memref<512x64xf32, #tpu.memory_space<hbm>>
      %dma_start3A_165 = arith.constant 0 : i32
      %dma_start3A_166 = tpu.memref_slice %arg6[%mul3A_2, %dma_start3A_165] : memref<16384x64xf32, #tpu.memory_space<hbm>> -> memref<512x64xf32, #tpu.memory_space<hbm>>
      tpu.enqueue_dma source(%arg10 : memref<512x64xf32, #tpu.memory_space<vmem>>) target(%dma_start3A_166 : memref<512x64xf32, #tpu.memory_space<hbm>>) target_semaphore(%run_scoped3A : memref<!tpu.dma_semaphore, #tpu.memory_space<semaphore_mem>>)
      %dma_wait3A_167 = arith.constant 0 : i32
      %dma_wait3A_168 = tpu.memref_slice %arg6[%mul3A_2, %dma_wait3A_167] : memref<16384x64xf32, #tpu.memory_space<hbm>> -> memref<512x64xf32, #tpu.memory_space<hbm>>
      %dma_wait3A_169 = arith.constant 0 : i32
      %dma_wait3A_170 = tpu.memref_slice %arg6[%mul3A_2, %dma_wait3A_169] : memref<16384x64xf32, #tpu.memory_space<hbm>> -> memref<512x64xf32, #tpu.memory_space<hbm>>
      tpu.wait_dma2 semaphore(%run_scoped3A : memref<!tpu.dma_semaphore, #tpu.memory_space<semaphore_mem>>) src(%arg10 : memref<512x64xf32, #tpu.memory_space<vmem>>) dst(%dma_wait3A_170 : memref<512x64xf32, #tpu.memory_space<hbm>>)
      tpu.yield
    }) : () -> ()
    return
  }
}

module attributes {stable_mosaic.version = 14 : i64} {
  func.func @_xpose_body(%arg0: i32, %arg1: memref<64x16384xf32, #tpu.memory_space<vmem>>, %arg2: memref<64x16384xf32, #tpu.memory_space<vmem>>, %arg3: memref<8192x128xf32, #tpu.memory_space<vmem>>) attributes {dimension_semantics = [#tpu.dimension_semantics<arbitrary>], iteration_bounds = array<i64: 62>, scalar_prefetch = 0 : i64, scratch_operands = 0 : i64, tpu.core_type = #tpu.core_type<tc>, window_params = [{transform_indices = @transform_0, window_bounds = array<i64: 64, 16384>}, {transform_indices = @transform_1, window_bounds = array<i64: 64, 16384>}, {transform_indices = @transform_2, window_bounds = array<i64: 8192, 128>}]} {
    %get3A = arith.constant 0 : index
    %get3A_0 = arith.constant 0 : index
    %get3A_1 = vector.load %arg1[%get3A, %get3A_0] : memref<64x16384xf32, #tpu.memory_space<vmem>>, vector<64x16384xf32>
    %bitcast_convert_type3A = tpu.bitcast %get3A_1 : vector<64x16384xf32> -> vector<64x16384xi32>
    %get3A_2 = arith.constant 0 : index
    %get3A_3 = arith.constant 0 : index
    %get3A_4 = vector.load %arg2[%get3A_2, %get3A_3] : memref<64x16384xf32, #tpu.memory_space<vmem>>, vector<64x16384xf32>
    %bitcast_convert_type3A_5 = tpu.bitcast %get3A_4 : vector<64x16384xf32> -> vector<64x16384xi32>
    %add3A = arith.constant 32767 : i32
    %add3A_6 = vector.broadcast %add3A : i32 to vector<64x16384xi32>
    %add3A_7 = arith.addi %bitcast_convert_type3A, %add3A_6 : vector<64x16384xi32>
    %shift_right_logical3A = arith.constant 16 : i32
    %shift_right_logical3A_8 = vector.broadcast %shift_right_logical3A : i32 to vector<64x16384xi32>
    %shift_right_logical3A_9 = arith.shrui %bitcast_convert_type3A, %shift_right_logical3A_8 : vector<64x16384xi32>
    %and3A = arith.constant 1 : i32
    %and3A_10 = vector.broadcast %and3A : i32 to vector<64x16384xi32>
    %and3A_11 = arith.andi %shift_right_logical3A_9, %and3A_10 : vector<64x16384xi32>
    %add3A_12 = arith.addi %add3A_7, %and3A_11 : vector<64x16384xi32>
    %and3A_13 = arith.constant -65536 : i32
    %and3A_14 = vector.broadcast %and3A_13 : i32 to vector<64x16384xi32>
    %and3A_15 = arith.andi %add3A_12, %and3A_14 : vector<64x16384xi32>
    %add3A_16 = arith.constant 32767 : i32
    %add3A_17 = vector.broadcast %add3A_16 : i32 to vector<64x16384xi32>
    %add3A_18 = arith.addi %bitcast_convert_type3A_5, %add3A_17 : vector<64x16384xi32>
    %shift_right_logical3A_19 = arith.constant 16 : i32
    %shift_right_logical3A_20 = vector.broadcast %shift_right_logical3A_19 : i32 to vector<64x16384xi32>
    %shift_right_logical3A_21 = arith.shrui %bitcast_convert_type3A_5, %shift_right_logical3A_20 : vector<64x16384xi32>
    %and3A_22 = arith.constant 1 : i32
    %and3A_23 = vector.broadcast %and3A_22 : i32 to vector<64x16384xi32>
    %and3A_24 = arith.andi %shift_right_logical3A_21, %and3A_23 : vector<64x16384xi32>
    %add3A_25 = arith.addi %add3A_18, %and3A_24 : vector<64x16384xi32>
    %and3A_26 = arith.constant -65536 : i32
    %and3A_27 = vector.broadcast %and3A_26 : i32 to vector<64x16384xi32>
    %and3A_28 = arith.andi %add3A_25, %and3A_27 : vector<64x16384xi32>
    %shift_right_logical3A_29 = arith.constant 16 : i32
    %shift_right_logical3A_30 = vector.broadcast %shift_right_logical3A_29 : i32 to vector<64x16384xi32>
    %shift_right_logical3A_31 = arith.shrui %and3A_28, %shift_right_logical3A_30 : vector<64x16384xi32>
    %or3A = arith.ori %and3A_15, %shift_right_logical3A_31 : vector<64x16384xi32>
    %transpose3A = tpu.transpose %or3A, [1, 0] : vector<64x16384xi32> -> vector<16384x64xi32>
    %slice3A = vector.extract_strided_slice %transpose3A {offsets = [0, 0], sizes = [8192, 64], strides = [1, 1]} : vector<16384x64xi32> to vector<8192x64xi32>
    %slice3A_32 = vector.extract_strided_slice %transpose3A {offsets = [8192, 0], sizes = [8192, 64], strides = [1, 1]} : vector<16384x64xi32> to vector<8192x64xi32>
    %concatenate3A = tpu.concatenate %slice3A, %slice3A_32 in 1 : vector<8192x64xi32>, vector<8192x64xi32> -> vector<8192x128xi32>
    %bitcast_convert_type3A_33 = tpu.bitcast %concatenate3A : vector<8192x128xi32> -> vector<8192x128xf32>
    %swap3A = arith.constant 0 : index
    %swap3A_34 = arith.constant 0 : index
    %swap3A_35 = vector.load %arg3[%swap3A, %swap3A_34] : memref<8192x128xf32, #tpu.memory_space<vmem>>, vector<8192x128xf32>
    tpu.vector_store %arg3[%swap3A, %swap3A_34], %bitcast_convert_type3A_33 {strides = array<i32>} : memref<8192x128xf32, #tpu.memory_space<vmem>>, vector<8192x128xf32>,
    return
  }
  func.func @transform_0(%arg0: i32) -> (i32, i32) {
    %c0_i32 = arith.constant 0 : i32
    %c0_i32_0 = arith.constant 0 : i32
    return %c0_i32, %arg0 : i32, i32
  }
  func.func @transform_1(%arg0: i32) -> (i32, i32) {
    %c0_i32 = arith.constant 0 : i32
    %c0_i32_0 = arith.constant 0 : i32
    return %c0_i32, %arg0 : i32, i32
  }
  func.func @transform_2(%arg0: i32) -> (i32, i32) {
    %c0_i32 = arith.constant 0 : i32
    %c0_i32_0 = arith.constant 0 : i32
    return %arg0, %c0_i32 : i32, i32
  }
}

module attributes {stable_mosaic.version = 14 : i64} {
  func.func @_mlp_body(%arg0: i32, %arg1: memref<1024x64xf32, #tpu.memory_space<vmem>>, %arg2: memref<1024x64xf32, #tpu.memory_space<vmem>>, %arg3: memref<1024x128xf32, #tpu.memory_space<vmem>>, %arg4: memref<1024x128xf32, #tpu.memory_space<vmem>>, %arg5: memref<384x128xf32, #tpu.memory_space<vmem>>, %arg6: memref<1x128xf32, #tpu.memory_space<vmem>>, %arg7: memref<128x128xf32, #tpu.memory_space<vmem>>, %arg8: memref<1x128xf32, #tpu.memory_space<vmem>>, %arg9: memref<1x128xf32, #tpu.memory_space<vmem>>, %arg10: memref<1x1xf32, #tpu.memory_space<smem>>, %arg11: memref<1x1x1024xf32, #tpu.memory_space<vmem>>) attributes {dimension_semantics = [#tpu.dimension_semantics<arbitrary>], iteration_bounds = array<i64: 16>, scalar_prefetch = 0 : i64, scratch_operands = 0 : i64, tpu.core_type = #tpu.core_type<tc>, window_params = [{transform_indices = @transform_0, window_bounds = array<i64: 1024, 64>}, {transform_indices = @transform_1, window_bounds = array<i64: 1024, 64>}, {transform_indices = @transform_2, window_bounds = array<i64: 1024, 128>}, {transform_indices = @transform_3, window_bounds = array<i64: 1024, 128>}, {pipeline_mode = #tpu.pipeline_mode<synchronous>, transform_indices = @transform_4, window_bounds = array<i64: 384, 128>}, {pipeline_mode = #tpu.pipeline_mode<synchronous>, transform_indices = @transform_5, window_bounds = array<i64: 1, 128>}, {pipeline_mode = #tpu.pipeline_mode<synchronous>, transform_indices = @transform_6, window_bounds = array<i64: 128, 128>}, {pipeline_mode = #tpu.pipeline_mode<synchronous>, transform_indices = @transform_7, window_bounds = array<i64: 1, 128>}, {pipeline_mode = #tpu.pipeline_mode<synchronous>, transform_indices = @transform_8, window_bounds = array<i64: 1, 128>}, {transform_indices = @transform_9, window_bounds = array<i64: 1, 1>}, {transform_indices = @transform_10, window_bounds = array<i64: 1, 1, 1024>}]} {
    %get3A = arith.constant 0 : index
    %get3A_0 = arith.constant 0 : index
    %get3A_1 = vector.load %arg1[%get3A, %get3A_0] : memref<1024x64xf32, #tpu.memory_space<vmem>>, vector<1024x64xf32>
    %bitcast_convert_type3A = tpu.bitcast %get3A_1 : vector<1024x64xf32> -> vector<1024x64xi32>
    %get3A_2 = arith.constant 0 : index
    %get3A_3 = arith.constant 0 : index
    %get3A_4 = vector.load %arg2[%get3A_2, %get3A_3] : memref<1024x64xf32, #tpu.memory_space<vmem>>, vector<1024x64xf32>
    %bitcast_convert_type3A_5 = tpu.bitcast %get3A_4 : vector<1024x64xf32> -> vector<1024x64xi32>
    %and3A = arith.constant -65536 : i32
    %and3A_6 = vector.broadcast %and3A : i32 to vector<1024x64xi32>
    %and3A_7 = arith.andi %bitcast_convert_type3A, %and3A_6 : vector<1024x64xi32>
    %bitcast_convert_type3A_8 = tpu.bitcast %and3A_7 : vector<1024x64xi32> -> vector<1024x64xf32>
    %shift_left3A = arith.constant 16 : i32
    %shift_left3A_9 = vector.broadcast %shift_left3A : i32 to vector<1024x64xi32>
    %shift_left3A_10 = arith.shli %bitcast_convert_type3A_5, %shift_left3A_9 : vector<1024x64xi32>
    %bitcast_convert_type3A_11 = tpu.bitcast %shift_left3A_10 : vector<1024x64xi32> -> vector<1024x64xf32>
    %get3A_12 = arith.constant 0 : index
    %get3A_13 = arith.constant 0 : index
    %get3A_14 = vector.load %arg5[%get3A_12, %get3A_13] : memref<384x128xf32, #tpu.memory_space<vmem>>, vector<64x128xf32>
    %dot_general3A = arith.constant dense<0.000000e+00> : vector<1024x128xf32>
    %dot_general3A_15 = tpu.matmul %bitcast_convert_type3A_8, %get3A_14, %dot_general3A {dimension_numbers = #tpu.dot_dimension_numbers<[1], [0], [0], [1], [0, 0, 1, 1], [], []>, transpose_lhs_hint = false} : vector<1024x64xf32>, vector<64x128xf32>, vector<1024x128xf32> -> vector<1024x128xf32>
    %get3A_16 = arith.constant 64 : index
    %get3A_17 = arith.constant 0 : index
    %get3A_18 = vector.load %arg5[%get3A_16, %get3A_17] : memref<384x128xf32, #tpu.memory_space<vmem>>, vector<64x128xf32>
    %dot_general3A_19 = arith.constant dense<0.000000e+00> : vector<1024x128xf32>
    %dot_general3A_20 = tpu.matmul %bitcast_convert_type3A_11, %get3A_18, %dot_general3A_19 {dimension_numbers = #tpu.dot_dimension_numbers<[1], [0], [0], [1], [0, 0, 1, 1], [], []>, transpose_lhs_hint = false} : vector<1024x64xf32>, vector<64x128xf32>, vector<1024x128xf32> -> vector<1024x128xf32>
    %add3A = arith.addf %dot_general3A_15, %dot_general3A_20 : vector<1024x128xf32>
    %get3A_21 = arith.constant 0 : index
    %get3A_22 = arith.constant 0 : index
    %get3A_23 = vector.load %arg3[%get3A_21, %get3A_22] : memref<1024x128xf32, #tpu.memory_space<vmem>>, vector<1024x128xf32>
    %get3A_24 = arith.constant 128 : index
    %get3A_25 = arith.constant 0 : index
    %get3A_26 = vector.load %arg5[%get3A_24, %get3A_25] : memref<384x128xf32, #tpu.memory_space<vmem>>, vector<128x128xf32>
    %dot_general3A_27 = arith.constant dense<0.000000e+00> : vector<1024x128xf32>
    %dot_general3A_28 = tpu.matmul %get3A_23, %get3A_26, %dot_general3A_27 {dimension_numbers = #tpu.dot_dimension_numbers<[1], [0], [0], [1], [0, 0, 1, 1], [], []>, transpose_lhs_hint = false} : vector<1024x128xf32>, vector<128x128xf32>, vector<1024x128xf32> -> vector<1024x128xf32>
    %add3A_29 = arith.addf %add3A, %dot_general3A_28 : vector<1024x128xf32>
    %get3A_30 = arith.constant 0 : index
    %get3A_31 = arith.constant 0 : index
    %get3A_32 = vector.load %arg4[%get3A_30, %get3A_31] : memref<1024x128xf32, #tpu.memory_space<vmem>>, vector<1024x128xf32>
    %get3A_33 = arith.constant 256 : index
    %get3A_34 = arith.constant 0 : index
    %get3A_35 = vector.load %arg5[%get3A_33, %get3A_34] : memref<384x128xf32, #tpu.memory_space<vmem>>, vector<128x128xf32>
    %dot_general3A_36 = arith.constant dense<0.000000e+00> : vector<1024x128xf32>
    %dot_general3A_37 = tpu.matmul %get3A_32, %get3A_35, %dot_general3A_36 {dimension_numbers = #tpu.dot_dimension_numbers<[1], [0], [0], [1], [0, 0, 1, 1], [], []>, transpose_lhs_hint = false} : vector<1024x128xf32>, vector<128x128xf32>, vector<1024x128xf32> -> vector<1024x128xf32>
    %add3A_38 = arith.addf %add3A_29, %dot_general3A_37 : vector<1024x128xf32>
    %get3A_39 = arith.constant 0 : index
    %get3A_40 = arith.constant 0 : index
    %get3A_41 = vector.load %arg6[%get3A_39, %get3A_40] : memref<1x128xf32, #tpu.memory_space<vmem>>, vector<1x128xf32>
    %add3A_42 = vector.broadcast %get3A_41 : vector<1x128xf32> to vector<1024x128xf32>
    %add3A_43 = arith.addf %add3A_38, %add3A_42 : vector<1024x128xf32>
    %max3A = arith.constant 0.000000e+00 : f32
    %max3A_44 = vector.broadcast %max3A : f32 to vector<1024x128xf32>
    %max3A_45 = arith.maximumf %add3A_43, %max3A_44 : vector<1024x128xf32>
    %get3A_46 = arith.constant 0 : index
    %get3A_47 = arith.constant 0 : index
    %get3A_48 = vector.load %arg7[%get3A_46, %get3A_47] : memref<128x128xf32, #tpu.memory_space<vmem>>, vector<128x128xf32>
    %dot_general3A_49 = arith.constant dense<0.000000e+00> : vector<1024x128xf32>
    %dot_general3A_50 = tpu.matmul %max3A_45, %get3A_48, %dot_general3A_49 {dimension_numbers = #tpu.dot_dimension_numbers<[1], [0], [0], [1], [0, 0, 1, 1], [], []>, transpose_lhs_hint = false} : vector<1024x128xf32>, vector<128x128xf32>, vector<1024x128xf32> -> vector<1024x128xf32>
    %get3A_51 = arith.constant 0 : index
    %get3A_52 = arith.constant 0 : index
    %get3A_53 = vector.load %arg8[%get3A_51, %get3A_52] : memref<1x128xf32, #tpu.memory_space<vmem>>, vector<1x128xf32>
    %add3A_54 = vector.broadcast %get3A_53 : vector<1x128xf32> to vector<1024x128xf32>
    %add3A_55 = arith.addf %dot_general3A_50, %add3A_54 : vector<1024x128xf32>
    %max3A_56 = arith.constant 0.000000e+00 : f32
    %max3A_57 = vector.broadcast %max3A_56 : f32 to vector<1024x128xf32>
    %max3A_58 = arith.maximumf %add3A_55, %max3A_57 : vector<1024x128xf32>
    %get3A_59 = arith.constant 0 : index
    %get3A_60 = arith.constant 0 : index
    %get3A_61 = vector.load %arg9[%get3A_59, %get3A_60] : memref<1x128xf32, #tpu.memory_space<vmem>>, vector<1x128xf32>
    %mul3A = vector.broadcast %get3A_61 : vector<1x128xf32> to vector<1024x128xf32>
    %mul3A_62 = arith.mulf %max3A_58, %mul3A : vector<1024x128xf32>
    %reduce_sum3A = arith.constant dense<0.000000e+00> : vector<1024xf32>
    %reduce_sum3A_63 = vector.multi_reduction <add>, %mul3A_62, %reduce_sum3A [1] : vector<1024x128xf32> to vector<1024xf32>
    %get3A_64 = arith.constant 0 : index
    %get3A_65 = arith.constant 0 : index
    %get3A_66 = memref.load %arg10[%get3A_64, %get3A_65] : memref<1x1xf32, #tpu.memory_space<smem>>
    %add3A_67 = vector.broadcast %get3A_66 : f32 to vector<1024xf32>
    %add3A_68 = arith.addf %reduce_sum3A_63, %add3A_67 : vector<1024xf32>
    %neg3A = arith.constant 0.000000e+00 : f32
    %neg3A_69 = vector.broadcast %neg3A : f32 to vector<1024xf32>
    %neg3A_70 = arith.subf %neg3A_69, %add3A_68 : vector<1024xf32>
    %exp3A = math.exp %neg3A_70 : vector<1024xf32>
    %add3A_71 = arith.constant 1.000000e+00 : f32
    %add3A_72 = vector.broadcast %add3A_71 : f32 to vector<1024xf32>
    %add3A_73 = arith.addf %add3A_72, %exp3A : vector<1024xf32>
    %div3A = arith.constant 1.000000e+00 : f32
    %div3A_74 = vector.broadcast %div3A : f32 to vector<1024xf32>
    %div3A_75 = arith.divf %div3A_74, %add3A_73 : vector<1024xf32>
    %reshape3A = vector.shape_cast %div3A_75 : vector<1024xf32> to vector<1x1x1024xf32>
    %swap3A = arith.constant 0 : index
    %swap3A_76 = arith.constant 0 : index
    %swap3A_77 = arith.constant 0 : index
    %swap3A_78 = vector.load %arg11[%swap3A, %swap3A_76, %swap3A_77] : memref<1x1x1024xf32, #tpu.memory_space<vmem>>, vector<1x1x1024xf32>
    tpu.vector_store %arg11[%swap3A, %swap3A_76, %swap3A_77], %reshape3A {strides = array<i32>} : memref<1x1x1024xf32, #tpu.memory_space<vmem>>, vector<1x1x1024xf32>,
    return
  }
  func.func @transform_0(%arg0: i32) -> (i32, i32) {
    %c0_i32 = arith.constant 0 : i32
    %c0_i32_0 = arith.constant 0 : i32
    return %arg0, %c0_i32 : i32, i32
  }
  func.func @transform_1(%arg0: i32) -> (i32, i32) {
    %c0_i32 = arith.constant 0 : i32
    %c0_i32_0 = arith.constant 0 : i32
    return %arg0, %c0_i32 : i32, i32
  }
  func.func @transform_2(%arg0: i32) -> (i32, i32) {
    %c0_i32 = arith.constant 0 : i32
    %c0_i32_0 = arith.constant 0 : i32
    return %arg0, %c0_i32 : i32, i32
  }
  func.func @transform_3(%arg0: i32) -> (i32, i32) {
    %c0_i32 = arith.constant 0 : i32
    %c0_i32_0 = arith.constant 0 : i32
    return %arg0, %c0_i32 : i32, i32
  }
  func.func @transform_4(%arg0: i32) -> (i32, i32) {
    %c0_i32 = arith.constant 0 : i32
    %c0_i32_0 = arith.constant 0 : i32
    %c0_i32_1 = arith.constant 0 : i32
    return %c0_i32, %c0_i32_0 : i32, i32
  }
  func.func @transform_5(%arg0: i32) -> (i32, i32) {
    %c0_i32 = arith.constant 0 : i32
    %c0_i32_0 = arith.constant 0 : i32
    %c0_i32_1 = arith.constant 0 : i32
    return %c0_i32, %c0_i32_0 : i32, i32
  }
  func.func @transform_6(%arg0: i32) -> (i32, i32) {
    %c0_i32 = arith.constant 0 : i32
    %c0_i32_0 = arith.constant 0 : i32
    %c0_i32_1 = arith.constant 0 : i32
    return %c0_i32, %c0_i32_0 : i32, i32
  }
  func.func @transform_7(%arg0: i32) -> (i32, i32) {
    %c0_i32 = arith.constant 0 : i32
    %c0_i32_0 = arith.constant 0 : i32
    %c0_i32_1 = arith.constant 0 : i32
    return %c0_i32, %c0_i32_0 : i32, i32
  }
  func.func @transform_8(%arg0: i32) -> (i32, i32) {
    %c0_i32 = arith.constant 0 : i32
    %c0_i32_0 = arith.constant 0 : i32
    %c0_i32_1 = arith.constant 0 : i32
    return %c0_i32, %c0_i32_0 : i32, i32
  }
  func.func @transform_9(%arg0: i32) -> (i32, i32) {
    %c0_i32 = arith.constant 0 : i32
    %c0_i32_0 = arith.constant 0 : i32
    %c0_i32_1 = arith.constant 0 : i32
    return %c0_i32, %c0_i32_0 : i32, i32
  }
  func.func @transform_10(%arg0: i32) -> (i32, i32, i32) {
    %c0_i32 = arith.constant 0 : i32
    %c0_i32_0 = arith.constant 0 : i32
    %c0_i32_1 = arith.constant 0 : i32
    return %arg0, %c0_i32, %c0_i32_0 : i32, i32, i32
  }
}

</mosaic_0001>

<sc_bundles>
// kernel: kernel.5.cloned.1.call-start
scs
__scs_entry_jumppad:
0x0: {  	(pc) =	sbr.rel $0x88, $3  }
0x1: {  	(tag) =	ssettag $0x0;
	lr =	simm.s32 $0x1  }
0x2: {  	[smem:$0x3F95] =	sst lr;
	_ =	strace $0xD0000000  }
0x3: {  	_ = 	snop  }
0x4: {  	_ = 	snop  }
0x5: {  	_ = 	snop  }
0x6: {  	_ = 	snop  }
0x7: {  	_ = 	snop  }
__scs_overlays_trampoline_lowered:
0x8: {  	[smem:$0x3FA4] =	sst s0  }
0x9: {  	[smem:$0x3FA5] =	sst s1  }
0xa: {  	[smem:$0x3FA6] =	sst s2  }
0xb: {  	[smem:$0x3FA7] =	sst s3  }
0xc: {  	[smem:$0x3FA8] =	sst s4  }
0xd: {  	[smem:$0x3FA9] =	sst s5  }
0xe: {  	[smem:$0x3FAA] =	sst s6  }
0xf: {  	[smem:$0x3FAB] =	sst s7  }
0x10: {  	[smem:$0x3FAC] =	sst s8  }
0x11: {  	[smem:$0x3FAD] =	sst s9;
	s0 =	simm.s32 @!p0 $0x0  }
0x12: {  	s1 =	sld [smem:$0x3F93];
	s0 =	simm.s32 @p0 $0x1  }
0x13: {  	[smem:$0x3FAE] =	sst s0;
	s0 =	simm.s32 @!p1 $0x0  }
0x14: {  	s2 =	sld [smem:$0x3F92];
	s0 =	simm.s32 @p1 $0x1  }
0x15: {  	[smem:$0x3FAF] =	sst s0;
	s0 =	simm.s32 @!p2 $0x0  }
0x16: {  	s3 =	sld [smem:$0x3FDB];
	s0 =	simm.s32 @p2 $0x1  }
0x17: {  	s4 =	simm.s32 $0x1BF5;
	[smem:$0x3FB1] =	sst s0  }
0x18: {  	s0 =	sld [smem:$0x3F94];
	_ =	swait.ge [sflag:s4], $0x0  }
0x19: {  	s7 =	sld [smem:$0x3F95]  }
0x1a: {  	s8 =	sadd.s32 $0xFFFFE003, lr  }
0x1b: {  	s9 =	sadd.s32 $0xFFFFFEF7, lr;
	s5 =	simm.s32 $0xFFFFFFFF;
	p2 =	slt.u32 s8, $0xFFFFF086  }
0x1c: {  	p1 =	slt.u32 s9, $0xF7A;
	s5 =	simm.s32 @!p2 $0x0  }
0x1d: {  	s5 =	simm.s32 @p1 $0x1;
	p0 =	seq.s32 s7, s2  }
0x1e: {  	s7 =	smul.u32 @!p0 $0xF7A, s2;
	p2 =	seq.s32 @!p0 s5, $0x0  }
0x1f: {  	s9 =	smul.u32 $0xF7A, s1;
	s8 =	simm.s32 @!p0 $0x1BF5;
	p2 =	por !p2, p0  }
0x20: {  	[sflag:s8] =	ssyncset.s32 @!p0 $0xFFFFF086;
	s6 =	sadd.s32 @!p0 s3, s7;
	s7 =	simm.s32 @!p0 $0x108  }
0x21: {  	s3 =	sadd.s32 s3, s9;
	s6 =	sadd.s32 @!p0 $0x88, s6;
	s7 =	simm.s32 @p2 $0x1082  }
0x22: {  	[simem:s7], [sflag:s8] =	dma.local @!p0 [hbm:s6], $0xF7A  }
0x23: {  	s9 =	sor.u32 $0xD0000000, s2;
	s6 =	simm.s32 $0x108;
	_ =	swait.ge @!p0 [sflag:s8], $0x0  }
0x24: {  	s3 =	sadd.s32 $0x88, s3;
	s6 =	simm.s32 @!p1 $0x1082;
	[sflag:s4] =	ssyncset.s32 $0xFFFFF086  }
0x25: {  	[simem:s6], [sflag:s4] =	dma.local [hbm:s3], $0xF7A  }
0x26: {  	[smem:$0x3F95] =	sst s1;
	(tag) =	ssettag s2;
	_ =	strace s9  }
0x27: {  	s1 =	sld [smem:$0x3FA5]  }
0x28: {  	s2 =	sld [smem:$0x3FA6]  }
0x29: {  	s4 =	sld [smem:$0x3FA8]  }
0x2a: {  	p0 =	seq.s32 s5, $0x0;
	s5 =	sld [smem:$0x3FA9]  }
0x2b: {  	s6 =	sld [smem:$0x3FAA]  }
0x2c: {  	s7 =	sld [smem:$0x3FAB]  }
0x2d: {  	s3 =	simm.s32 $0x108;
	s8 =	sld [smem:$0x3FAC]  }
0x2e: {  	s3 =	simm.s32 @!p0 $0x1082;
	s9 =	sld [smem:$0x3FAD]  }
0x2f: {  	lr =	sadd.s32 s0, s3;
	s0 =	sld [smem:$0x3FA4]  }
0x30: {  	s3 =	sld [smem:$0x3FA7]  }
0x31: {  	[smem:$0x3FB0] =	sst s10  }
0x32: {  	s10 =	sld [smem:$0x3FAE];
	_ =	sdelay $0x3  }
0x33: {  	p0 =	seq.s32 s10, $0x1;
	s10 =	sld [smem:$0x3FB0];
	_ =	sdelay $0x3  }
0x34: {  	[smem:$0x3FB0] =	sst s10  }
0x35: {  	s10 =	sld [smem:$0x3FAF];
	_ =	sdelay $0x3  }
0x36: {  	p1 =	seq.s32 s10, $0x1;
	s10 =	sld [smem:$0x3FB0];
	_ =	sdelay $0x3  }
0x37: {  	[smem:$0x3FB0] =	sst s10  }
0x38: {  	s10 =	sld [smem:$0x3FB1]  }
0x39: {  	_ = 	snop;
	(pc) =	sbr.ind lr, $3  }
0x3a: {  	_ = 	snop  }
0x3b: {  	_ = 	snop  }
0x3c: {  	p2 =	seq.s32 s10, $0x1;
	s10 =	sld [smem:$0x3FB0]  }
0x3d: {  	_ =	shalt  }
0x3e: {  	_ =	shalt  }
0x3f: {  	_ =	shalt  }
0x40: {  	_ =	shalt  }
0x41: {  	_ =	shalt  }
0x42: {  	_ =	shalt  }
0x43: {  	_ =	shalt  }
0x44: {  	_ =	shalt  }
0x45: {  	_ =	shalt  }
0x46: {  	_ =	shalt  }
0x47: {  	_ =	shalt  }
0x48: {  	_ =	shalt  }
0x49: {  	_ =	shalt  }
0x4a: {  	_ =	shalt  }
0x4b: {  	_ =	shalt  }
0x4c: {  	_ =	shalt  }
0x4d: {  	_ =	shalt  }
0x4e: {  	_ =	shalt  }
0x4f: {  	_ =	shalt  }
0x50: {  	_ =	shalt  }
0x51: {  	_ =	shalt  }
0x52: {  	_ =	shalt  }
0x53: {  	_ =	shalt  }
0x54: {  	_ =	shalt  }
0x55: {  	_ =	shalt  }
0x56: {  	_ =	shalt  }
0x57: {  	_ =	shalt  }
0x58: {  	_ =	shalt  }
0x59: {  	_ =	shalt  }
0x5a: {  	_ =	shalt  }
0x5b: {  	_ =	shalt  }
0x5c: {  	_ =	shalt  }
0x5d: {  	_ =	shalt  }
0x5e: {  	_ =	shalt  }
0x5f: {  	_ =	shalt  }
0x60: {  	_ =	shalt  }
0x61: {  	_ =	shalt  }
0x62: {  	_ =	shalt  }
0x63: {  	_ =	shalt  }
0x64: {  	_ =	shalt  }
0x65: {  	_ =	shalt  }
0x66: {  	_ =	shalt  }
0x67: {  	_ =	shalt  }
0x68: {  	_ =	shalt  }
0x69: {  	_ =	shalt  }
0x6a: {  	_ =	shalt  }
0x6b: {  	_ =	shalt  }
0x6c: {  	_ =	shalt  }
0x6d: {  	_ =	shalt  }
0x6e: {  	_ =	shalt  }
0x6f: {  	_ =	shalt  }
0x70: {  	_ =	shalt  }
0x71: {  	_ =	shalt  }
0x72: {  	_ =	shalt  }
0x73: {  	_ =	shalt  }
0x74: {  	_ =	shalt  }
0x75: {  	_ =	shalt  }
0x76: {  	_ =	shalt  }
0x77: {  	_ =	shalt  }
0x78: {  	_ =	shalt  }
0x79: {  	_ =	shalt  }
0x7a: {  	_ =	shalt  }
0x7b: {  	_ =	shalt  }
0x7c: {  	_ =	shalt  }
0x7d: {  	_ =	shalt  }
0x7e: {  	_ =	shalt  }
0x7f: {  	_ =	shalt  }
0x80: {  	_ =	shalt  }
0x81: {  	_ =	shalt  }
0x82: {  	_ =	shalt  }
0x83: {  	_ =	shalt  }
0x84: {  	_ =	shalt  }
0x85: {  	_ =	shalt  }
0x86: {  	_ =	shalt  }
0x87: {  	_ =	shalt  }
.Lfunc_end0:
.L_simem_size_0:
called_computation_lowered:
.L_overlay_start_0:
0x88: {  	s2 =	sld [smem:$0x3FD9]  }
0x89: {  	s3 =	sld [smem:$0x3FFE];
	_ =	sdelay $0x1  }
0x8a: {  	s1 =	srdreg.scid  }
0x8b: {  	s0 =	sand.u32 $0x1, s1  }
0x8c: {  	s17 =	sshll.u32 s0, $0xA;
	s2 =	sadd.s32 s3, s2  }
0x8d: {  	s2 =	sadd.s32 s2, s17  }
0x8e: {  	[smem:$0x3FBC] =	sst s2  }
0x8f: {  	_ = 	snop  }
0x90: {  	s2 =	sld [smem:$0x3FD0];
	(tm) =	ssettm $0x1  }
0x91: {  	s18 =	sld [smem:$0x3FFB];
	_ =	sdelay $0x3  }
0x92: {  	_ =	strace s18  }
0x93: {  	s3 =	sld [smem:$0x3FFC];
	_ =	sdelay $0x3  }
0x94: {  	_ =	strace s3  }
0x95: {  	s3 =	sld [smem:$0x3FFD];
	_ =	sdelay $0x3  }
0x96: {  	_ =	strace s3  }
0x97: {  	_ =	strace $0x8FFFFFFF  }
0x98: {  	s19 =	sld [smem:$0x3FDB];
	_ =	sdelay $0x1  }
0x99: {  	s4 =	simm.s32 $_scs_section_size  }
0x9a: {  	s5 =	simm.s32 $_size__tile_overlayer_lowered;
	s6 =	simm.s32 $_tile_overlayer_lowered  }
0x9b: {  	s22 =	simm.s32 $0x1BFF;
	s21 =	sshll.u32 s6, $0x1;
	s3 =	sadd.s32 s4, s19  }
0x9c: {  	s7 =	simm.s32 $0x0;
	s20 =	sshll.u32 s5, $0x1;
	s5 =	sadd.s32 s21, s3  }
0x9d: {  	[timem:s7], [sflag:s22] =	dma.local [hbm:s5], s20  }
0x9e: {  	_ =	swait.ge [sflag:s22], s20  }
0x9f: {  	s4 =	ssub.s32 $0x0, s20;
	[sflag:s22] =	ssyncset.done $0x0  }
0xa0: {  	[sflag:s22] =	ssyncadd.s32 s4;
	_ =	sdelay $0x1  }
0xa1: {  	s23 =	simm.s32 $0x1B8B  }
0xa2: {  	_ =	swait.ge [sflag:s23], $0x1  }
0xa3: {  	[sflag:s23] =	ssyncset.done $0x0  }
0xa4: {  	s25 =	simm.s32 $0x1B8E;
	s24 =	sld [smem:$0x3FFE];
	[sflag:s23] =	ssyncadd.s32 $0xFFFFFFFF  }
0xa5: {  	s26 =	simm.s32 $execute0_lowered;
	[smem:$0x3FD2] =	sst s25  }
0xa6: {  	s5 =	sshll.u32 s26, $0x1;
	_ =	strace $0x80000046;
	[dreg:$0x1] =	wrdreg $0xFFFFFFFF  }
0xa7: {  	s28 =	simm.s32 $_size_execute0_lowered;
	s3 =	sadd.s32 s3, s5;
	[dreg:$0x0] =	wrdreg $0x0  }
0xa8: {  	s5 =	sshll.u32 s28, $0x1;
	[dreg:$0x2] =	wrdreg s3  }
0xa9: {  	[dreg:$0x3] =	wrdreg s5  }
0xaa: {  	[dreg:$0x4] =	wrdreg $0xC0  }
0xab: {  	_ =	task [dreg:s7], $0x5FFFF  }
0xac: {  	[dreg:$0x1] =	wrdreg $0xFFFFFFFF  }
0xad: {  	[dreg:$0x0] =	wrdreg $0x60  }
0xae: {  	[dreg:$0x2] =	wrdreg s2  }
0xaf: {  	[dreg:$0x3] =	wrdreg s24  }
0xb0: {  	[dreg:$0x4] =	wrdreg $0x9  }
0xb1: {  	_ =	task.clear_ibuf [dreg:s7], $0x5FFFF;
	_ =	strace $0x90000046  }
0xb2: {  	s29 =	simm.s32 $0x9;
	_ =	strace $0x80000048  }
0xb3: {  	_ =	swait.ge [sflag:s29], $0x1  }
0xb4: {  	[sflag:s29] =	ssyncadd.s32 $0xFFFFFFFF  }
0xb5: {  	_ =	strace $0x90000048  }
0xb6: {  	_ =	sfence  }
0xb7: {  	s30 =	sld [smem:$0x0];
	_ =	sdelay $0x2  }
0xb8: {  	s31 =	sshll.u32 s1, $0xD;
	s1 =	sshrl.u32 s1, $0x2  }
0xb9: {  	s3 =	sand.u32 $0x4000, s31;
	s1 =	sadd.s32 s1, s30  }
0xba: {  	s0 =	sor.u32 s3, s0;
	s1 =	sshll.u32 s1, $0x11  }
0xbb: {  	s0 =	sor.u32 s1, s0  }
0xbc: {  	s0 =	sadd.s32 $0x8F2B, s0  }
0xbd: {  	[sflag:s0] =	ssyncadd.remote.s32 $0x1  }
0xbe: {  	_ =	sfence.sel $0xFFFF  }
0xbf: {  	[dreg:$0x0] =	wrdreg $0xFFFFFFFF;
	(pc) =	sbr.abs _section_cstart, $3  }
0xc0: {  	[dreg:$0x1] =	wrdreg $0xFFFFFFFF  }
0xc1: {  	_ =	task.clear_ibuf [dreg:s7], $0x2FFFF;
	_ =	strace $0x9FFFFFFF  }
0xc2: {  	(tm) =	ssettm $0x7FFFFFFF  }
0xc3: {  	_ =	shalt  }
tec
execute0_lowered:
.L_overlay_start_1:
0x0: {  	(tag) =	ssettag $0x1  }
0x1: {  	s3 =	rddreg [dreg:$0x0]  }
0x2: {  	s1 =	srdreg.scid;
	s0 =	stileid.u32  }
0x3: {  	s25 =	rddreg [dreg:$0x1];
	s24 =	sand.u32 $0x1, s1;
	s4 =	sshll.u32 s0, $0x1  }
0x4: {  	s2 =	simm.s32 $0x0;
	s1 =	rddreg [dreg:$0x2];
	s26 =	sor.u32 s24, s4  }
0x5: {  	[smem:$0x7FF] =	sst s2;
	s5 =	sshll.u32 s26, $0x6  }
0x6: {  	_ =	strace $0x80000047;
	s4 =	sadd.s32 s3, s5;
	s3 =	simm.s32 $0x3  }
0x7: {  	[tilespmem:s2], [sflag:$0x3] =	stream.linear.gather [hbm4b:s4+s2], $0x200, $0x38;
	[tilespmem:$0x10400] =	vst v63  }
0x8: {  	_ =	swait.ge [sflag:s3], $0x200  }
0x9: {  	s5 =	sadd.s32 s5, s25;
	[sflag:s3] =	ssyncset.done $0x0  }
0xa: {  	s6 =	simm.s32 $0x200;
	s5 =	sadd.s32 $0x1400, s5;
	[sflag:s3] =	ssyncadd.s32 $0xFFFFFE00  }
0xb: {  	[tilespmem:s6], [sflag:$0x3] =	stream.linear.gather [hbm4b:s5+s2], $0x200, $0x38;
	[tilespmem:$0x10400] =	vst v63  }
0xc: {  	_ =	swait.ge [sflag:s3], $0x200  }
0xd: {  	s8 =	simm.s32 $0x80;
	[sflag:s3] =	ssyncset.done $0x0  }
0xe: {  	s9 =	simm.s32 $0x400;
	s7 =	sadd.s32 $0x1C00, s25;
	[sflag:s3] =	ssyncadd.s32 $0xFFFFFE00  }
0xf: {  	[tilespmem:s9], [sflag:$0x1] =	stream.indirect.gather [hbm4b:s7+s8], $0x40, s2, s8, $0xb8;
	[tilespmem:$0x10400] =	vst v63  }
0x10: {  	s10 =	simm.s32 $0x8400  }
0x11: {  	[tilespmem:s10], [sflag:$0x2] =	stream.indirect.gather [hbm4b:s7+s8], $0x40, s6, s8, $0xb8;
	[tilespmem:$0x10400] =	vst v63  }
0x12: {  	s11 =	simm.s32 $0x2400  }
0x13: {  	[tilespmem:s11], [sflag:$0x1] =	stream.indirect.gather [hbm4b:s7+s8], $0x40, s8, s8, $0xb8;
	[tilespmem:$0x10400] =	vst v63  }
0x14: {  	s12 =	simm.s32 $0x280;
	s13 =	simm.s32 $0xA400  }
0x15: {  	[tilespmem:s13], [sflag:$0x2] =	stream.indirect.gather [hbm4b:s7+s8], $0x40, s12, s8, $0xb8;
	[tilespmem:$0x10400] =	vst v63  }
0x16: {  	s14 =	simm.s32 $0x100;
	s15 =	simm.s32 $0x4400  }
0x17: {  	[tilespmem:s15], [sflag:$0x1] =	stream.indirect.gather [hbm4b:s7+s8], $0x40, s14, s8, $0xb8;
	[tilespmem:$0x10400] =	vst v63  }
0x18: {  	s16 =	simm.s32 $0x300;
	s17 =	simm.s32 $0xC400  }
0x19: {  	[tilespmem:s17], [sflag:$0x2] =	stream.indirect.gather [hbm4b:s7+s8], $0x40, s16, s8, $0xb8;
	[tilespmem:$0x10400] =	vst v63  }
0x1a: {  	s18 =	simm.s32 $0x180;
	s19 =	simm.s32 $0x6400  }
0x1b: {  	[tilespmem:s19], [sflag:$0x1] =	stream.indirect.gather [hbm4b:s7+s8], $0x40, s18, s8, $0xb8;
	[tilespmem:$0x10400] =	vst v63  }
0x1c: {  	s20 =	simm.s32 $0x380;
	s21 =	simm.s32 $0xE400;
	s22 =	simm.s32 $0x1  }
0x1d: {  	[tilespmem:s21], [sflag:$0x2] =	stream.indirect.gather [hbm4b:s7+s8], $0x40, s20, s8, $0xb8;
	[tilespmem:$0x10400] =	vst v63  }
0x1e: {  	_ =	swait.ge [sflag:s22], $0x2000  }
0x1f: {  	[sflag:s22] =	ssyncset.done $0x0  }
0x20: {  	s23 =	simm.s32 $0x2;
	[sflag:s22] =	ssyncadd.s32 $0xFFFFE000  }
0x21: {  	_ =	swait.ge [sflag:s23], $0x2000  }
0x22: {  	[sflag:s23] =	ssyncset.done $0x0  }
0x23: {  	[sflag:s23] =	ssyncadd.s32 $0xFFFFE000  }
0x24: {  	_ =	swait.ge [sflag:s22], $0x2000  }
0x25: {  	[sflag:s22] =	ssyncset.done $0x0  }
0x26: {  	[sflag:s22] =	ssyncadd.s32 $0xFFFFE000  }
0x27: {  	_ =	swait.ge [sflag:s23], $0x2000  }
0x28: {  	[sflag:s23] =	ssyncset.done $0x0  }
0x29: {  	[sflag:s23] =	ssyncadd.s32 $0xFFFFE000  }
0x2a: {  	_ =	swait.ge [sflag:s22], $0x2000  }
0x2b: {  	[sflag:s22] =	ssyncset.done $0x0  }
0x2c: {  	[sflag:s22] =	ssyncadd.s32 $0xFFFFE000  }
0x2d: {  	_ =	swait.ge [sflag:s23], $0x2000  }
0x2e: {  	[sflag:s23] =	ssyncset.done $0x0  }
0x2f: {  	[sflag:s23] =	ssyncadd.s32 $0xFFFFE000  }
0x30: {  	_ =	swait.ge [sflag:s22], $0x2000  }
0x31: {  	[sflag:s22] =	ssyncset.done $0x0  }
0x32: {  	s31 =	ssub.s32 $0x2, s24;
	[sflag:s22] =	ssyncadd.s32 $0xFFFFE000  }
0x33: {  	s26 =	sshll.u32 s26, $0xC;
	s28 =	sshrl.u32 s31, $0x1;
	_ =	swait.ge [sflag:s23], $0x2000  }
0x34: {  	s25 =	sadd.s32 s26, s25;
	s26 =	ssub.s32 s31, s28;
	[sflag:s23] =	ssyncset.done $0x0  }
0x35: {  	s24 =	sadd.s32 $0x7E1C00, s25;
	s26 =	smax.u32 s26, $0x1;
	[sflag:s23] =	ssyncadd.s32 $0xFFFFE000  }
0x36: {  	[hbm4b:s24+s2] =	stream.linear.scatter [tilespmem:s9], [sflag:$0x3], $0x8000, $0x38;
	[tilespmem:$0x10400] =	vst v63  }
0x37: {  	p0 =	sne.s32 s26, $0x1;
	_ =	swait.ge [sflag:s3], $0x8000  }
.Ltmp0:
0x38: {  	[sflag:s3] =	ssyncset.done $0x0;
	(pc) =	sbr.rel @!p0 .LBB2_2-.Ltmp0, $4  }
0x39: {  	s25 =	sadd.s32 $0x7C1C00, s25;
	[sflag:s3] =	ssyncadd.s32 $0xFFFF8000  }
0x3a: {  	[hbm4b:s25+s2] =	stream.linear.scatter [tilespmem:s10], [sflag:$0x3], $0x8000, $0x38;
	[tilespmem:$0x10400] =	vst v63  }
0x3b: {  	_ =	swait.ge [sflag:s3], $0x8000  }
0x3c: {  	s26 =	sadd.s32 $0xFFFFFFFF, s26;
	[sflag:s3] =	ssyncset.done $0x0  }
.LBB2_1:
0x3d: {  	p0 =	sne.s32 s26, $0x1;
	s26 =	sadd.s32 $0xFFFFFFFF, s26;
	[sflag:s3] =	ssyncadd.s32 $0xFFFF8000  }
0x3e: {  	[tilespmem:s2], [sflag:$0x3] =	stream.linear.gather [hbm4b:s4+s2], $0x200, $0x38;
	[tilespmem:$0x10400] =	vst v63  }
0x3f: {  	_ =	swait.ge [sflag:s3], $0x200  }
0x40: {  	[sflag:s3] =	ssyncset.done $0x0  }
0x41: {  	[sflag:s3] =	ssyncadd.s32 $0xFFFFFE00  }
0x42: {  	[tilespmem:s6], [sflag:$0x3] =	stream.linear.gather [hbm4b:s5+s2], $0x200, $0x38;
	[tilespmem:$0x10400] =	vst v63  }
0x43: {  	_ =	swait.ge [sflag:s3], $0x200  }
0x44: {  	[sflag:s3] =	ssyncset.done $0x0  }
0x45: {  	[sflag:s3] =	ssyncadd.s32 $0xFFFFFE00  }
0x46: {  	[tilespmem:s9], [sflag:$0x1] =	stream.indirect.gather [hbm4b:s7+s8], $0x40, s2, s8, $0xb8;
	[tilespmem:$0x10400] =	vst v63  }
0x47: {  	_ = 	snop  }
0x48: {  	[tilespmem:s10], [sflag:$0x2] =	stream.indirect.gather [hbm4b:s7+s8], $0x40, s6, s8, $0xb8;
	[tilespmem:$0x10400] =	vst v63  }
0x49: {  	_ = 	snop  }
0x4a: {  	[tilespmem:s11], [sflag:$0x1] =	stream.indirect.gather [hbm4b:s7+s8], $0x40, s8, s8, $0xb8;
	[tilespmem:$0x10400] =	vst v63  }
0x4b: {  	_ = 	snop  }
0x4c: {  	[tilespmem:s13], [sflag:$0x2] =	stream.indirect.gather [hbm4b:s7+s8], $0x40, s12, s8, $0xb8;
	[tilespmem:$0x10400] =	vst v63  }
0x4d: {  	_ = 	snop  }
0x4e: {  	[tilespmem:s15], [sflag:$0x1] =	stream.indirect.gather [hbm4b:s7+s8], $0x40, s14, s8, $0xb8;
	[tilespmem:$0x10400] =	vst v63  }
0x4f: {  	_ = 	snop  }
0x50: {  	[tilespmem:s17], [sflag:$0x2] =	stream.indirect.gather [hbm4b:s7+s8], $0x40, s16, s8, $0xb8;
	[tilespmem:$0x10400] =	vst v63  }
0x51: {  	_ = 	snop  }
0x52: {  	[tilespmem:s19], [sflag:$0x1] =	stream.indirect.gather [hbm4b:s7+s8], $0x40, s18, s8, $0xb8;
	[tilespmem:$0x10400] =	vst v63  }
0x53: {  	_ = 	snop  }
0x54: {  	[tilespmem:s21], [sflag:$0x2] =	stream.indirect.gather [hbm4b:s7+s8], $0x40, s20, s8, $0xb8;
	[tilespmem:$0x10400] =	vst v63  }
0x55: {  	_ =	swait.ge [sflag:s22], $0x2000  }
0x56: {  	[sflag:s22] =	ssyncset.done $0x0  }
0x57: {  	[sflag:s22] =	ssyncadd.s32 $0xFFFFE000  }
0x58: {  	_ =	swait.ge [sflag:s23], $0x2000  }
0x59: {  	[sflag:s23] =	ssyncset.done $0x0  }
0x5a: {  	[sflag:s23] =	ssyncadd.s32 $0xFFFFE000  }
0x5b: {  	_ =	swait.ge [sflag:s22], $0x2000  }
0x5c: {  	[sflag:s22] =	ssyncset.done $0x0  }
0x5d: {  	[sflag:s22] =	ssyncadd.s32 $0xFFFFE000  }
0x5e: {  	_ =	swait.ge [sflag:s23], $0x2000  }
0x5f: {  	[sflag:s23] =	ssyncset.done $0x0  }
0x60: {  	[sflag:s23] =	ssyncadd.s32 $0xFFFFE000  }
0x61: {  	_ =	swait.ge [sflag:s22], $0x2000  }
0x62: {  	[sflag:s22] =	ssyncset.done $0x0  }
0x63: {  	[sflag:s22] =	ssyncadd.s32 $0xFFFFE000  }
0x64: {  	_ =	swait.ge [sflag:s23], $0x2000  }
0x65: {  	[sflag:s23] =	ssyncset.done $0x0  }
0x66: {  	[sflag:s23] =	ssyncadd.s32 $0xFFFFE000  }
0x67: {  	_ =	swait.ge [sflag:s22], $0x2000  }
0x68: {  	[sflag:s22] =	ssyncset.done $0x0  }
0x69: {  	[sflag:s22] =	ssyncadd.s32 $0xFFFFE000  }
0x6a: {  	_ =	swait.ge [sflag:s23], $0x2000  }
0x6b: {  	[sflag:s23] =	ssyncset.done $0x0  }
0x6c: {  	[sflag:s23] =	ssyncadd.s32 $0xFFFFE000  }
0x6d: {  	[hbm4b:s24+s2] =	stream.linear.scatter [tilespmem:s9], [sflag:$0x3], $0x8000, $0x38;
	[tilespmem:$0x10400] =	vst v63  }
0x6e: {  	_ =	swait.ge [sflag:s3], $0x8000  }
.Ltmp1:
0x6f: {  	[sflag:s3] =	ssyncset.done $0x0;
	(pc) =	sbr.rel @p0 .LBB2_1-.Ltmp1, $4  }
0x70: {  	[sflag:s3] =	ssyncadd.s32 $0xFFFF8000  }
0x71: {  	[hbm4b:s25+s2] =	stream.linear.scatter [tilespmem:s10], [sflag:$0x3], $0x8000, $0x38;
	[tilespmem:$0x10400] =	vst v63  }
0x72: {  	_ =	swait.ge [sflag:s3], $0x8000  }
0x73: {  	[sflag:s3] =	ssyncset.done $0x0  }
.LBB2_2:
0x74: {  	[sflag:s3] =	ssyncadd.s32 $0xFFFF8000  }
0x75: {  	_ =	sfence.sel $0x180000  }
0x76: {  	[bflag:$0x0] =	sbarrier.arrive $0xFFFF  }
0x77: {  	p0 =	sne.s32 s0, $0x0;
	_ =	strace $0x90000047  }
0x78: {  	s0 =	sadd.s32 @!p0 $0x100000, s1;
	[bflag:$0x2] =	sbarrier.arrive $0xFFFF  }
0x79: {  	[sflag:s0] =	ssyncadd.tile.s32 @!p0 $0x1;
	_ =	shalt  }
.Lfunc_end2:
_tile_overlayer_lowered:
.L_overlay_start_2:
0x7a: {  	(tag) =	ssettag $0x2  }
0x7b: {  	s0 =	rddreg [dreg:$0x0];
	s2 =	stileid.u32  }
0x7c: {  	s1 =	rddreg [dreg:$0x1];
	p0 =	sne.s32 s2, $0x0  }
0x7d: {  	s3 =	rddreg [dreg:$0x2];
	[bflag:$0x3] =	sbarrier.arrive $0xFFFF;
	s2 =	simm.s32 @!p0 $0x1C03  }
0x7e: {  	[timem:s3], [sflag:s2] =	dma.local @!p0 [hbm:s0], s1  }
0x7f: {  	s0 =	simm.s32 @!p0 $0x3  }
0x80: {  	_ =	swait.ge @!p0 [sflag:s0], s1  }
0x81: {  	s1 =	ssub.s32 @!p0 $0x0, s1;
	[sflag:s0] =	ssyncset.done @!p0 $0x0  }
0x82: {  	[sflag:s0] =	ssyncadd.s32 @!p0 s1  }
0x83: {  	[bflag:$0x3] =	sbarrier.arrive $0xFFFF  }
0x84: {  	_ =	shalt  }

</sc_bundles>
